<compile_context>
chip_gen: v7x
topology: tpu7x:2x2x1
jax: 0.10.2.dev20260603
libtpu: 0.0.44.dev20260713+nightly
codegen_flags: <defaults>
</compile_context>

<pallas_src>
import functools

import jax
import jax.numpy as jnp
from jax import lax
from jax.experimental import pallas as pl
from jax.experimental.pallas import tpu as pltpu
from jax.experimental.pallas import tpu_sc as plsc

DIM = 128
CH = 128
NBUF = 4


def _make_sc_gather(N, n_per_w, n_ch, n_vocab):
    mesh = plsc.VectorSubcoreMesh(core_axis_name="c", subcore_axis_name="s")
    nc = mesh.num_cores

    @functools.partial(
        pl.kernel,
        out_type=jax.ShapeDtypeStruct((N, DIM), jnp.float32),
        mesh=mesh,
        scratch_types=[
            pltpu.VMEM((n_ch, CH), jnp.int32),
            pltpu.VMEM((NBUF, CH, DIM), jnp.float32),
            pltpu.VMEM_SHARED((64, DIM), jnp.float32),
            [pltpu.SemaphoreType.DMA] * NBUF,
            [pltpu.SemaphoreType.DMA] * NBUF,
        ],
    )
    def sc_gather(idx_hbm, table_hbm, out_hbm, idx_v, rows_v, table_v, gsems, ssems):
        wid = lax.axis_index("s") * nc + lax.axis_index("c")
        pltpu.sync_copy(idx_hbm.at[pl.ds(wid * n_ch, n_ch), :], idx_v)

        @pl.when(lax.axis_index("s") == 0)
        def _():
            pltpu.sync_copy(table_hbm, table_v.at[pl.ds(0, n_vocab), :])

        plsc.subcore_barrier()
        base = wid * n_per_w

        def gather(j, b):
            pltpu.async_copy(table_v.at[idx_v.at[j]], rows_v.at[b], gsems[b])

        def wait_gather(b):
            pltpu.make_async_copy(
                table_v.at[idx_v.at[0]], rows_v.at[b], gsems[b]
            ).wait()

        def scatter(j, b):
            pltpu.async_copy(
                rows_v.at[b], out_hbm.at[pl.ds(base + j * CH, CH), :], ssems[b]
            )

        def wait_scatter(b):
            pltpu.make_async_copy(
                rows_v.at[b], out_hbm.at[pl.ds(base, CH), :], ssems[b]
            ).wait()

        for b in range(NBUF - 1):
            gather(b, b)

        def outer(j0, carry):
            for b in range(NBUF):
                j = j0 * NBUF + b
                bp = (b + NBUF - 1) % NBUF

                @pl.when(j >= 1)
                def _():
                    wait_scatter(bp)

                @pl.when(j + NBUF - 1 < n_ch)
                def _():
                    gather(j + NBUF - 1, bp)

                wait_gather(b)
                scatter(j, b)
            return carry

        lax.fori_loop(0, n_ch // NBUF, outer, 0)
        wait_scatter((n_ch - 1) % NBUF)

    return sc_gather


def kernel(QR, symbols_weight):
    B, T = QR.shape
    N = B * T
    n_workers = 32
    n_per_w = N // n_workers
    n_ch = n_per_w // CH
    V = symbols_weight.shape[0]
    idx = QR.reshape(n_workers * n_ch, CH).astype(jnp.int32)
    out = _make_sc_gather(N, n_per_w, n_ch, V)(idx, symbols_weight)
    return out.reshape(B, T, DIM)

# --- scband reference (transcript-rebuilt; emitter-appended) ---
"""Pipeline reference for scband-onehot-module-47373489275358 (READ-ONLY COPY).

The authoritative reference and input builder live on the scoring server;
editing this copy changes nothing except your own understanding.
"""

import jax, jax.numpy as jnp
import numpy as np

CHARSET = "0123456789ABCDEFGHIJKLMNOPQRSTUVWXYZabcdefghijklmnopqrstuvwxyz"
VOCAB = len(sorted(set(CHARSET))) + 1  # 63
DIM = 128


def setup_inputs(seed: int = 0) -> dict:
    key = jax.random.key(seed)
    k1, k2 = jax.random.split(key)
    QR = jax.random.randint(k1, (4096, 200), 0, VOCAB)
    symbols_weight = jax.random.normal(k2, (VOCAB, DIM), dtype=jnp.float32)
    return {"QR": QR, "symbols_weight": symbols_weight}


def reference(QR, symbols_weight):
    # Faithful translation of: return self.symbols.weight[QR]
    return jnp.take(symbols_weight, QR, axis=0)

if __name__ == "__main__":
    import jax
    _d = setup_inputs()
    print(jax.jit(kernel)(*tuple(_d.values())))

</pallas_src>

<mosaic_0001>
#map = affine_map<(d0, d1) -> (0, 0)>
module attributes {stable_mosaic.version = 14 : i64} {
  func.func @sc_gather(%arg0: i32, %arg1: i32, %arg2: memref<6400x128xi32, #tpu.memory_space<hbm>>, %arg3: memref<63x128xf32, #tpu.memory_space<hbm>>, %arg4: memref<819200x128xf32, #tpu.memory_space<hbm>>, %arg5: memref<200x128xi32, #tpu.memory_space<vmem>>, %arg6: memref<4x128x128xf32, #tpu.memory_space<vmem>>, %arg7: memref<64x128xf32, #tpu.memory_space<vmem_shared>>, %arg8: memref<!tpu.dma_semaphore, #tpu.memory_space<semaphore_mem>>, %arg9: memref<!tpu.dma_semaphore, #tpu.memory_space<semaphore_mem>>, %arg10: memref<!tpu.dma_semaphore, #tpu.memory_space<semaphore_mem>>, %arg11: memref<!tpu.dma_semaphore, #tpu.memory_space<semaphore_mem>>, %arg12: memref<!tpu.dma_semaphore, #tpu.memory_space<semaphore_mem>>, %arg13: memref<!tpu.dma_semaphore, #tpu.memory_space<semaphore_mem>>, %arg14: memref<!tpu.dma_semaphore, #tpu.memory_space<semaphore_mem>>, %arg15: memref<!tpu.dma_semaphore, #tpu.memory_space<semaphore_mem>>) attributes {dimension_semantics = [#tpu.dimension_semantics<core_parallel>, #tpu.dimension_semantics<subcore_parallel>], iteration_bounds = array<i64: 2, 16>, scalar_prefetch = 0 : i64, scratch_operands = 11 : i64, tpu.core_type = #tpu.core_type<sc_vector_subcore>, window_params = [{transform_indices = #map}, {transform_indices = #map}, {transform_indices = #map}]} {
    %mul3A = arith.constant 2 : i32
    %mul3A_0 = arith.muli %arg1, %mul3A : i32
    %add3A = arith.addi %mul3A_0, %arg0 : i32
    %mul3A_1 = arith.constant 200 : i32
    %mul3A_2 = arith.muli %add3A, %mul3A_1 : i32
    "tpu.region"() ({
      %run_scoped3A = tpu.sem_alloc : memref<!tpu.dma_semaphore, #tpu.memory_space<semaphore_mem>>
      %dma_start3A_59 = arith.constant 0 : i32
      %dma_start3A_60 = tpu.memref_slice %arg2[%mul3A_2, %dma_start3A_59] : memref<6400x128xi32, #tpu.memory_space<hbm>> -> memref<200x128xi32, #tpu.memory_space<hbm>>
      %dma_start3A_61 = arith.constant 0 : i32
      %dma_start3A_62 = tpu.memref_slice %arg2[%mul3A_2, %dma_start3A_61] : memref<6400x128xi32, #tpu.memory_space<hbm>> -> memref<200x128xi32, #tpu.memory_space<hbm>>
      tpu.enqueue_dma source(%dma_start3A_62 : memref<200x128xi32, #tpu.memory_space<hbm>>) target(%arg5 : memref<200x128xi32, #tpu.memory_space<vmem>>) target_semaphore(%run_scoped3A : memref<!tpu.dma_semaphore, #tpu.memory_space<semaphore_mem>>)
      %dma_wait3A_63 = arith.constant 0 : i32
      %dma_wait3A_64 = tpu.memref_slice %arg2[%mul3A_2, %dma_wait3A_63] : memref<6400x128xi32, #tpu.memory_space<hbm>> -> memref<200x128xi32, #tpu.memory_space<hbm>>
      %dma_wait3A_65 = arith.constant 0 : i32
      %dma_wait3A_66 = tpu.memref_slice %arg2[%mul3A_2, %dma_wait3A_65] : memref<6400x128xi32, #tpu.memory_space<hbm>> -> memref<200x128xi32, #tpu.memory_space<hbm>>
      tpu.wait_dma2 semaphore(%run_scoped3A : memref<!tpu.dma_semaphore, #tpu.memory_space<semaphore_mem>>) src(%dma_wait3A_66 : memref<200x128xi32, #tpu.memory_space<hbm>>) dst(%arg5 : memref<200x128xi32, #tpu.memory_space<vmem>>)
      tpu.yield
    }) : () -> ()
    %eq3A = arith.constant 0 : i32
    %eq3A_3 = arith.cmpi eq, %arg1, %eq3A : i32
    %convert_element_type3A = arith.extui %eq3A_3 : i1 to i32
    %cond3A = arith.constant 0 : i32
    %cond3A_4 = arith.cmpi ne, %convert_element_type3A, %cond3A : i32
    scf.if %cond3A_4 {
      "tpu.region"() ({
        %run_scoped3A = tpu.sem_alloc : memref<!tpu.dma_semaphore, #tpu.memory_space<semaphore_mem>>
        %dma_start3A_59 = arith.constant 0 : i32
        %dma_start3A_60 = arith.constant 0 : i32
        %dma_start3A_61 = tpu.memref_slice %arg7[%dma_start3A_59, %dma_start3A_60] : memref<64x128xf32, #tpu.memory_space<vmem_shared>> -> memref<63x128xf32, #tpu.memory_space<vmem_shared>>
        tpu.enqueue_dma source(%arg3 : memref<63x128xf32, #tpu.memory_space<hbm>>) target(%dma_start3A_61 : memref<63x128xf32, #tpu.memory_space<vmem_shared>>) target_semaphore(%run_scoped3A : memref<!tpu.dma_semaphore, #tpu.memory_space<semaphore_mem>>)
        %dma_wait3A_62 = arith.constant 0 : i32
        %dma_wait3A_63 = arith.constant 0 : i32
        %dma_wait3A_64 = tpu.memref_slice %arg7[%dma_wait3A_62, %dma_wait3A_63] : memref<64x128xf32, #tpu.memory_space<vmem_shared>> -> memref<63x128xf32, #tpu.memory_space<vmem_shared>>
        tpu.wait_dma2 semaphore(%run_scoped3A : memref<!tpu.dma_semaphore, #tpu.memory_space<semaphore_mem>>) src(%arg3 : memref<63x128xf32, #tpu.memory_space<hbm>>) dst(%dma_wait3A_64 : memref<63x128xf32, #tpu.memory_space<vmem_shared>>)
        tpu.yield
      }) : () -> ()
    } else {
    }
    %barrier3A = arith.constant 0 : index
    tpu.barrier barrier_id(%barrier3A)
    %mul3A_5 = arith.constant 25600 : i32
    %mul3A_6 = arith.muli %add3A, %mul3A_5 : i32
    %dma_start3A = arith.constant 0 : i32
    %dma_start3A_7 = arith.constant 0 : i32
    %dma_start3A_8 = arith.constant 0 : i32
    %dma_start3A_9 = arith.constant 0 : i32
    %dma_start3A_10 = tpu.memref_slice %arg6[%dma_start3A_7, %dma_start3A_8, %dma_start3A_9] : memref<4x128x128xf32, #tpu.memory_space<vmem>> -> memref<1x128x128xf32, #tpu.memory_space<vmem>>
    %dma_start3A_11 = tpu.memref_squeeze %dma_start3A_10 : memref<1x128x128xf32, #tpu.memory_space<vmem>> -> memref<128x128xf32, #tpu.memory_space<vmem>>
    %dma_start3A_12 = arith.constant 0 : i32
    %dma_start3A_13 = tpu.memref_slice %arg5[%dma_start3A, %dma_start3A_12] : memref<200x128xi32, #tpu.memory_space<vmem>> -> memref<1x128xi32, #tpu.memory_space<vmem>>
    %dma_start3A_14 = tpu.memref_squeeze %dma_start3A_13 : memref<1x128xi32, #tpu.memory_space<vmem>> -> memref<128xi32, #tpu.memory_space<vmem>>
    %dma_start3A_15 = arith.constant 0 : i32
    %dma_start3A_16 = arith.constant 0 : i32
    %dma_start3A_17 = tpu.memref_slice %arg7[%dma_start3A_15, %dma_start3A_16] : memref<64x128xf32, #tpu.memory_space<vmem_shared>> -> memref<64x128xf32, #tpu.memory_space<vmem_shared>>
    tpu.enqueue_indirect_dma source(%dma_start3A_17 : memref<64x128xf32, #tpu.memory_space<vmem_shared>>) target(%dma_start3A_11 : memref<128x128xf32, #tpu.memory_space<vmem>>) offsets(%dma_start3A_14 : memref<128xi32, #tpu.memory_space<vmem>>) semaphore(%arg8 : memref<!tpu.dma_semaphore, #tpu.memory_space<semaphore_mem>>)
    %dma_start3A_18 = arith.constant 1 : i32
    %dma_start3A_19 = arith.constant 1 : i32
    %dma_start3A_20 = arith.constant 0 : i32
    %dma_start3A_21 = arith.constant 0 : i32
    %dma_start3A_22 = tpu.memref_slice %arg6[%dma_start3A_19, %dma_start3A_20, %dma_start3A_21] : memref<4x128x128xf32, #tpu.memory_space<vmem>> -> memref<1x128x128xf32, #tpu.memory_space<vmem>>
    %dma_start3A_23 = tpu.memref_squeeze %dma_start3A_22 : memref<1x128x128xf32, #tpu.memory_space<vmem>> -> memref<128x128xf32, #tpu.memory_space<vmem>>
    %dma_start3A_24 = arith.constant 0 : i32
    %dma_start3A_25 = tpu.memref_slice %arg5[%dma_start3A_18, %dma_start3A_24] : memref<200x128xi32, #tpu.memory_space<vmem>> -> memref<1x128xi32, #tpu.memory_space<vmem>>
    %dma_start3A_26 = tpu.memref_squeeze %dma_start3A_25 : memref<1x128xi32, #tpu.memory_space<vmem>> -> memref<128xi32, #tpu.memory_space<vmem>>
    %dma_start3A_27 = arith.constant 0 : i32
    %dma_start3A_28 = arith.constant 0 : i32
    %dma_start3A_29 = tpu.memref_slice %arg7[%dma_start3A_27, %dma_start3A_28] : memref<64x128xf32, #tpu.memory_space<vmem_shared>> -> memref<64x128xf32, #tpu.memory_space<vmem_shared>>
    tpu.enqueue_indirect_dma source(%dma_start3A_29 : memref<64x128xf32, #tpu.memory_space<vmem_shared>>) target(%dma_start3A_23 : memref<128x128xf32, #tpu.memory_space<vmem>>) offsets(%dma_start3A_26 : memref<128xi32, #tpu.memory_space<vmem>>) semaphore(%arg9 : memref<!tpu.dma_semaphore, #tpu.memory_space<semaphore_mem>>)
    %dma_start3A_30 = arith.constant 2 : i32
    %dma_start3A_31 = arith.constant 2 : i32
    %dma_start3A_32 = arith.constant 0 : i32
    %dma_start3A_33 = arith.constant 0 : i32
    %dma_start3A_34 = tpu.memref_slice %arg6[%dma_start3A_31, %dma_start3A_32, %dma_start3A_33] : memref<4x128x128xf32, #tpu.memory_space<vmem>> -> memref<1x128x128xf32, #tpu.memory_space<vmem>>
    %dma_start3A_35 = tpu.memref_squeeze %dma_start3A_34 : memref<1x128x128xf32, #tpu.memory_space<vmem>> -> memref<128x128xf32, #tpu.memory_space<vmem>>
    %dma_start3A_36 = arith.constant 0 : i32
    %dma_start3A_37 = tpu.memref_slice %arg5[%dma_start3A_30, %dma_start3A_36] : memref<200x128xi32, #tpu.memory_space<vmem>> -> memref<1x128xi32, #tpu.memory_space<vmem>>
    %dma_start3A_38 = tpu.memref_squeeze %dma_start3A_37 : memref<1x128xi32, #tpu.memory_space<vmem>> -> memref<128xi32, #tpu.memory_space<vmem>>
    %dma_start3A_39 = arith.constant 0 : i32
    %dma_start3A_40 = arith.constant 0 : i32
    %dma_start3A_41 = tpu.memref_slice %arg7[%dma_start3A_39, %dma_start3A_40] : memref<64x128xf32, #tpu.memory_space<vmem_shared>> -> memref<64x128xf32, #tpu.memory_space<vmem_shared>>
    tpu.enqueue_indirect_dma source(%dma_start3A_41 : memref<64x128xf32, #tpu.memory_space<vmem_shared>>) target(%dma_start3A_35 : memref<128x128xf32, #tpu.memory_space<vmem>>) offsets(%dma_start3A_38 : memref<128xi32, #tpu.memory_space<vmem>>) semaphore(%arg10 : memref<!tpu.dma_semaphore, #tpu.memory_space<semaphore_mem>>)
    %scan3A = arith.constant 0 : i32
    %scan3A_42 = arith.constant 0 : i32
    %scan3A_43 = arith.constant 50 : i32
    %scan3A_44 = arith.addi %scan3A_42, %scan3A_43 : i32
    %scan3A_45 = arith.constant 1 : i32
    scf.for %scan3A_59 = %scan3A_42 to %scan3A_44 step %scan3A_45  : i32 {
      %mul3A_60 = arith.constant 4 : i32
      %mul3A_61 = arith.muli %scan3A_59, %mul3A_60 : i32
      %add3A_62 = arith.constant 0 : i32
      %add3A_63 = arith.addi %mul3A_61, %add3A_62 : i32
      %ge3A = arith.constant 1 : i32
      %ge3A_64 = arith.cmpi sge, %add3A_63, %ge3A : i32
      %convert_element_type3A_65 = arith.extui %ge3A_64 : i1 to i32
      %cond3A_66 = arith.constant 0 : i32
      %cond3A_67 = arith.cmpi ne, %convert_element_type3A_65, %cond3A_66 : i32
      scf.if %cond3A_67 {
        %dma_wait3A_241 = arith.constant 3 : i32
        %dma_wait3A_242 = arith.constant 0 : i32
        %dma_wait3A_243 = arith.constant 0 : i32
        %dma_wait3A_244 = tpu.memref_slice %arg6[%dma_wait3A_241, %dma_wait3A_242, %dma_wait3A_243] : memref<4x128x128xf32, #tpu.memory_space<vmem>> -> memref<1x128x128xf32, #tpu.memory_space<vmem>>
        %dma_wait3A_245 = tpu.memref_squeeze %dma_wait3A_244 : memref<1x128x128xf32, #tpu.memory_space<vmem>> -> memref<128x128xf32, #tpu.memory_space<vmem>>
        %dma_wait3A_246 = arith.constant 0 : i32
        %dma_wait3A_247 = tpu.memref_slice %arg4[%mul3A_6, %dma_wait3A_246] : memref<819200x128xf32, #tpu.memory_space<hbm>> -> memref<128x128xf32, #tpu.memory_space<hbm>>
        %dma_wait3A_248 = arith.constant 0 : i32
        %dma_wait3A_249 = tpu.memref_slice %arg4[%mul3A_6, %dma_wait3A_248] : memref<819200x128xf32, #tpu.memory_space<hbm>> -> memref<128x128xf32, #tpu.memory_space<hbm>>
        %dma_wait3A_250 = arith.constant 0 : i32
        %dma_wait3A_251 = arith.constant 0 : i32
        %dma_wait3A_252 = tpu.memref_slice %arg6[%dma_wait3A_241, %dma_wait3A_250, %dma_wait3A_251] : memref<4x128x128xf32, #tpu.memory_space<vmem>> -> memref<1x128x128xf32, #tpu.memory_space<vmem>>
        %dma_wait3A_253 = tpu.memref_squeeze %dma_wait3A_252 : memref<1x128x128xf32, #tpu.memory_space<vmem>> -> memref<128x128xf32, #tpu.memory_space<vmem>>
        tpu.wait_dma2 semaphore(%arg15 : memref<!tpu.dma_semaphore, #tpu.memory_space<semaphore_mem>>) src(%dma_wait3A_253 : memref<128x128xf32, #tpu.memory_space<vmem>>) dst(%dma_wait3A_249 : memref<128x128xf32, #tpu.memory_space<hbm>>)
      } else {
      }
      %add3A_68 = arith.constant 4 : i32
      %add3A_69 = arith.addi %add3A_63, %add3A_68 : i32
      %sub3A = arith.constant 1 : i32
      %sub3A_70 = arith.subi %add3A_69, %sub3A : i32
      %lt3A = arith.constant 200 : i32
      %lt3A_71 = arith.cmpi slt, %sub3A_70, %lt3A : i32
      %convert_element_type3A_72 = arith.extui %lt3A_71 : i1 to i32
      %cond3A_73 = arith.constant 0 : i32
      %cond3A_74 = arith.cmpi ne, %convert_element_type3A_72, %cond3A_73 : i32
      scf.if %cond3A_74 {
        %add3A_241 = arith.constant 4 : i32
        %add3A_242 = arith.addi %add3A_63, %add3A_241 : i32
        %sub3A_243 = arith.constant 1 : i32
        %sub3A_244 = arith.subi %add3A_242, %sub3A_243 : i32
        %dma_start3A_245 = arith.constant 3 : i32
        %dma_start3A_246 = arith.constant 0 : i32
        %dma_start3A_247 = arith.constant 0 : i32
        %dma_start3A_248 = tpu.memref_slice %arg6[%dma_start3A_245, %dma_start3A_246, %dma_start3A_247] : memref<4x128x128xf32, #tpu.memory_space<vmem>> -> memref<1x128x128xf32, #tpu.memory_space<vmem>>
        %dma_start3A_249 = tpu.memref_squeeze %dma_start3A_248 : memref<1x128x128xf32, #tpu.memory_space<vmem>> -> memref<128x128xf32, #tpu.memory_space<vmem>>
        %dma_start3A_250 = arith.constant 0 : i32
        %dma_start3A_251 = tpu.memref_slice %arg5[%sub3A_244, %dma_start3A_250] : memref<200x128xi32, #tpu.memory_space<vmem>> -> memref<1x128xi32, #tpu.memory_space<vmem>>
        %dma_start3A_252 = tpu.memref_squeeze %dma_start3A_251 : memref<1x128xi32, #tpu.memory_space<vmem>> -> memref<128xi32, #tpu.memory_space<vmem>>
        %dma_start3A_253 = arith.constant 0 : i32
        %dma_start3A_254 = arith.constant 0 : i32
        %dma_start3A_255 = tpu.memref_slice %arg7[%dma_start3A_253, %dma_start3A_254] : memref<64x128xf32, #tpu.memory_space<vmem_shared>> -> memref<64x128xf32, #tpu.memory_space<vmem_shared>>
        tpu.enqueue_indirect_dma source(%dma_start3A_255 : memref<64x128xf32, #tpu.memory_space<vmem_shared>>) target(%dma_start3A_249 : memref<128x128xf32, #tpu.memory_space<vmem>>) offsets(%dma_start3A_252 : memref<128xi32, #tpu.memory_space<vmem>>) semaphore(%arg11 : memref<!tpu.dma_semaphore, #tpu.memory_space<semaphore_mem>>)
      } else {
      }
      %dma_wait3A_75 = arith.constant 0 : i32
      %dma_wait3A_76 = arith.constant 0 : i32
      %dma_wait3A_77 = arith.constant 0 : i32
      %dma_wait3A_78 = arith.constant 0 : i32
      %dma_wait3A_79 = tpu.memref_slice %arg6[%dma_wait3A_76, %dma_wait3A_77, %dma_wait3A_78] : memref<4x128x128xf32, #tpu.memory_space<vmem>> -> memref<1x128x128xf32, #tpu.memory_space<vmem>>
      %dma_wait3A_80 = tpu.memref_squeeze %dma_wait3A_79 : memref<1x128x128xf32, #tpu.memory_space<vmem>> -> memref<128x128xf32, #tpu.memory_space<vmem>>
      %dma_wait3A_81 = arith.constant 0 : i32
      %dma_wait3A_82 = tpu.memref_slice %arg5[%dma_wait3A_75, %dma_wait3A_81] : memref<200x128xi32, #tpu.memory_space<vmem>> -> memref<1x128xi32, #tpu.memory_space<vmem>>
      %dma_wait3A_83 = tpu.memref_squeeze %dma_wait3A_82 : memref<1x128xi32, #tpu.memory_space<vmem>> -> memref<128xi32, #tpu.memory_space<vmem>>
      %dma_wait3A_84 = arith.constant 0 : i32
      %dma_wait3A_85 = arith.constant 0 : i32
      %dma_wait3A_86 = tpu.memref_slice %arg7[%dma_wait3A_84, %dma_wait3A_85] : memref<64x128xf32, #tpu.memory_space<vmem_shared>> -> memref<64x128xf32, #tpu.memory_space<vmem_shared>>
      tpu.wait_indirect_dma semaphore(%arg8 : memref<!tpu.dma_semaphore, #tpu.memory_space<semaphore_mem>>) src(%dma_wait3A_86 : memref<64x128xf32, #tpu.memory_space<vmem_shared>>) dst(%dma_wait3A_80 : memref<128x128xf32, #tpu.memory_space<vmem>>)
      %mul3A_87 = arith.constant 128 : i32
      %mul3A_88 = arith.muli %add3A_63, %mul3A_87 : i32
      %add3A_89 = arith.addi %mul3A_6, %mul3A_88 : i32
      %dma_start3A_90 = arith.constant 0 : i32
      %dma_start3A_91 = arith.constant 0 : i32
      %dma_start3A_92 = arith.constant 0 : i32
      %dma_start3A_93 = tpu.memref_slice %arg6[%dma_start3A_90, %dma_start3A_91, %dma_start3A_92] : memref<4x128x128xf32, #tpu.memory_space<vmem>> -> memref<1x128x128xf32, #tpu.memory_space<vmem>>
      %dma_start3A_94 = tpu.memref_squeeze %dma_start3A_93 : memref<1x128x128xf32, #tpu.memory_space<vmem>> -> memref<128x128xf32, #tpu.memory_space<vmem>>
      %dma_start3A_95 = arith.constant 0 : i32
      %dma_start3A_96 = tpu.memref_slice %arg4[%add3A_89, %dma_start3A_95] : memref<819200x128xf32, #tpu.memory_space<hbm>> -> memref<128x128xf32, #tpu.memory_space<hbm>>
      %dma_start3A_97 = arith.constant 0 : i32
      %dma_start3A_98 = tpu.memref_slice %arg4[%add3A_89, %dma_start3A_97] : memref<819200x128xf32, #tpu.memory_space<hbm>> -> memref<128x128xf32, #tpu.memory_space<hbm>>
      %dma_start3A_99 = arith.constant 0 : i32
      %dma_start3A_100 = arith.constant 0 : i32
      %dma_start3A_101 = tpu.memref_slice %arg6[%dma_start3A_90, %dma_start3A_99, %dma_start3A_100] : memref<4x128x128xf32, #tpu.memory_space<vmem>> -> memref<1x128x128xf32, #tpu.memory_space<vmem>>
      %dma_start3A_102 = tpu.memref_squeeze %dma_start3A_101 : memref<1x128x128xf32, #tpu.memory_space<vmem>> -> memref<128x128xf32, #tpu.memory_space<vmem>>
      tpu.enqueue_dma source(%dma_start3A_102 : memref<128x128xf32, #tpu.memory_space<vmem>>) target(%dma_start3A_98 : memref<128x128xf32, #tpu.memory_space<hbm>>) target_semaphore(%arg12 : memref<!tpu.dma_semaphore, #tpu.memory_space<semaphore_mem>>)
      %mul3A_103 = arith.constant 4 : i32
      %mul3A_104 = arith.muli %scan3A_59, %mul3A_103 : i32
      %add3A_105 = arith.constant 1 : i32
      %add3A_106 = arith.addi %mul3A_104, %add3A_105 : i32
      %ge3A_107 = arith.constant 1 : i32
      %ge3A_108 = arith.cmpi sge, %add3A_106, %ge3A_107 : i32
      %convert_element_type3A_109 = arith.extui %ge3A_108 : i1 to i32
      %cond3A_110 = arith.constant 0 : i32
      %cond3A_111 = arith.cmpi ne, %convert_element_type3A_109, %cond3A_110 : i32
      scf.if %cond3A_111 {
        %dma_wait3A_241 = arith.constant 0 : i32
        %dma_wait3A_242 = arith.constant 0 : i32
        %dma_wait3A_243 = arith.constant 0 : i32
        %dma_wait3A_244 = tpu.memref_slice %arg6[%dma_wait3A_241, %dma_wait3A_242, %dma_wait3A_243] : memref<4x128x128xf32, #tpu.memory_space<vmem>> -> memref<1x128x128xf32, #tpu.memory_space<vmem>>
        %dma_wait3A_245 = tpu.memref_squeeze %dma_wait3A_244 : memref<1x128x128xf32, #tpu.memory_space<vmem>> -> memref<128x128xf32, #tpu.memory_space<vmem>>
        %dma_wait3A_246 = arith.constant 0 : i32
        %dma_wait3A_247 = tpu.memref_slice %arg4[%mul3A_6, %dma_wait3A_246] : memref<819200x128xf32, #tpu.memory_space<hbm>> -> memref<128x128xf32, #tpu.memory_space<hbm>>
        %dma_wait3A_248 = arith.constant 0 : i32
        %dma_wait3A_249 = tpu.memref_slice %arg4[%mul3A_6, %dma_wait3A_248] : memref<819200x128xf32, #tpu.memory_space<hbm>> -> memref<128x128xf32, #tpu.memory_space<hbm>>
        %dma_wait3A_250 = arith.constant 0 : i32
        %dma_wait3A_251 = arith.constant 0 : i32
        %dma_wait3A_252 = tpu.memref_slice %arg6[%dma_wait3A_241, %dma_wait3A_250, %dma_wait3A_251] : memref<4x128x128xf32, #tpu.memory_space<vmem>> -> memref<1x128x128xf32, #tpu.memory_space<vmem>>
        %dma_wait3A_253 = tpu.memref_squeeze %dma_wait3A_252 : memref<1x128x128xf32, #tpu.memory_space<vmem>> -> memref<128x128xf32, #tpu.memory_space<vmem>>
        tpu.wait_dma2 semaphore(%arg12 : memref<!tpu.dma_semaphore, #tpu.memory_space<semaphore_mem>>) src(%dma_wait3A_253 : memref<128x128xf32, #tpu.memory_space<vmem>>) dst(%dma_wait3A_249 : memref<128x128xf32, #tpu.memory_space<hbm>>)
      } else {
      }
      %add3A_112 = arith.constant 4 : i32
      %add3A_113 = arith.addi %add3A_106, %add3A_112 : i32
      %sub3A_114 = arith.constant 1 : i32
      %sub3A_115 = arith.subi %add3A_113, %sub3A_114 : i32
      %lt3A_116 = arith.constant 200 : i32
      %lt3A_117 = arith.cmpi slt, %sub3A_115, %lt3A_116 : i32
      %convert_element_type3A_118 = arith.extui %lt3A_117 : i1 to i32
      %cond3A_119 = arith.constant 0 : i32
      %cond3A_120 = arith.cmpi ne, %convert_element_type3A_118, %cond3A_119 : i32
      scf.if %cond3A_120 {
        %add3A_241 = arith.constant 4 : i32
        %add3A_242 = arith.addi %add3A_106, %add3A_241 : i32
        %sub3A_243 = arith.constant 1 : i32
        %sub3A_244 = arith.subi %add3A_242, %sub3A_243 : i32
        %dma_start3A_245 = arith.constant 0 : i32
        %dma_start3A_246 = arith.constant 0 : i32
        %dma_start3A_247 = arith.constant 0 : i32
        %dma_start3A_248 = tpu.memref_slice %arg6[%dma_start3A_245, %dma_start3A_246, %dma_start3A_247] : memref<4x128x128xf32, #tpu.memory_space<vmem>> -> memref<1x128x128xf32, #tpu.memory_space<vmem>>
        %dma_start3A_249 = tpu.memref_squeeze %dma_start3A_248 : memref<1x128x128xf32, #tpu.memory_space<vmem>> -> memref<128x128xf32, #tpu.memory_space<vmem>>
        %dma_start3A_250 = arith.constant 0 : i32
        %dma_start3A_251 = tpu.memref_slice %arg5[%sub3A_244, %dma_start3A_250] : memref<200x128xi32, #tpu.memory_space<vmem>> -> memref<1x128xi32, #tpu.memory_space<vmem>>
        %dma_start3A_252 = tpu.memref_squeeze %dma_start3A_251 : memref<1x128xi32, #tpu.memory_space<vmem>> -> memref<128xi32, #tpu.memory_space<vmem>>
        %dma_start3A_253 = arith.constant 0 : i32
        %dma_start3A_254 = arith.constant 0 : i32
        %dma_start3A_255 = tpu.memref_slice %arg7[%dma_start3A_253, %dma_start3A_254] : memref<64x128xf32, #tpu.memory_space<vmem_shared>> -> memref<64x128xf32, #tpu.memory_space<vmem_shared>>
        tpu.enqueue_indirect_dma source(%dma_start3A_255 : memref<64x128xf32, #tpu.memory_space<vmem_shared>>) target(%dma_start3A_249 : memref<128x128xf32, #tpu.memory_space<vmem>>) offsets(%dma_start3A_252 : memref<128xi32, #tpu.memory_space<vmem>>) semaphore(%arg8 : memref<!tpu.dma_semaphore, #tpu.memory_space<semaphore_mem>>)
      } else {
      }
      %dma_wait3A_121 = arith.constant 0 : i32
      %dma_wait3A_122 = arith.constant 1 : i32
      %dma_wait3A_123 = arith.constant 0 : i32
      %dma_wait3A_124 = arith.constant 0 : i32
      %dma_wait3A_125 = tpu.memref_slice %arg6[%dma_wait3A_122, %dma_wait3A_123, %dma_wait3A_124] : memref<4x128x128xf32, #tpu.memory_space<vmem>> -> memref<1x128x128xf32, #tpu.memory_space<vmem>>
      %dma_wait3A_126 = tpu.memref_squeeze %dma_wait3A_125 : memref<1x128x128xf32, #tpu.memory_space<vmem>> -> memref<128x128xf32, #tpu.memory_space<vmem>>
      %dma_wait3A_127 = arith.constant 0 : i32
      %dma_wait3A_128 = tpu.memref_slice %arg5[%dma_wait3A_121, %dma_wait3A_127] : memref<200x128xi32, #tpu.memory_space<vmem>> -> memref<1x128xi32, #tpu.memory_space<vmem>>
      %dma_wait3A_129 = tpu.memref_squeeze %dma_wait3A_128 : memref<1x128xi32, #tpu.memory_space<vmem>> -> memref<128xi32, #tpu.memory_space<vmem>>
      %dma_wait3A_130 = arith.constant 0 : i32
      %dma_wait3A_131 = arith.constant 0 : i32
      %dma_wait3A_132 = tpu.memref_slice %arg7[%dma_wait3A_130, %dma_wait3A_131] : memref<64x128xf32, #tpu.memory_space<vmem_shared>> -> memref<64x128xf32, #tpu.memory_space<vmem_shared>>
      tpu.wait_indirect_dma semaphore(%arg9 : memref<!tpu.dma_semaphore, #tpu.memory_space<semaphore_mem>>) src(%dma_wait3A_132 : memref<64x128xf32, #tpu.memory_space<vmem_shared>>) dst(%dma_wait3A_126 : memref<128x128xf32, #tpu.memory_space<vmem>>)
      %mul3A_133 = arith.constant 128 : i32
      %mul3A_134 = arith.muli %add3A_106, %mul3A_133 : i32
      %add3A_135 = arith.addi %mul3A_6, %mul3A_134 : i32
      %dma_start3A_136 = arith.constant 1 : i32
      %dma_start3A_137 = arith.constant 0 : i32
      %dma_start3A_138 = arith.constant 0 : i32
      %dma_start3A_139 = tpu.memref_slice %arg6[%dma_start3A_136, %dma_start3A_137, %dma_start3A_138] : memref<4x128x128xf32, #tpu.memory_space<vmem>> -> memref<1x128x128xf32, #tpu.memory_space<vmem>>
      %dma_start3A_140 = tpu.memref_squeeze %dma_start3A_139 : memref<1x128x128xf32, #tpu.memory_space<vmem>> -> memref<128x128xf32, #tpu.memory_space<vmem>>
      %dma_start3A_141 = arith.constant 0 : i32
      %dma_start3A_142 = tpu.memref_slice %arg4[%add3A_135, %dma_start3A_141] : memref<819200x128xf32, #tpu.memory_space<hbm>> -> memref<128x128xf32, #tpu.memory_space<hbm>>
      %dma_start3A_143 = arith.constant 0 : i32
      %dma_start3A_144 = tpu.memref_slice %arg4[%add3A_135, %dma_start3A_143] : memref<819200x128xf32, #tpu.memory_space<hbm>> -> memref<128x128xf32, #tpu.memory_space<hbm>>
      %dma_start3A_145 = arith.constant 0 : i32
      %dma_start3A_146 = arith.constant 0 : i32
      %dma_start3A_147 = tpu.memref_slice %arg6[%dma_start3A_136, %dma_start3A_145, %dma_start3A_146] : memref<4x128x128xf32, #tpu.memory_space<vmem>> -> memref<1x128x128xf32, #tpu.memory_space<vmem>>
      %dma_start3A_148 = tpu.memref_squeeze %dma_start3A_147 : memref<1x128x128xf32, #tpu.memory_space<vmem>> -> memref<128x128xf32, #tpu.memory_space<vmem>>
      tpu.enqueue_dma source(%dma_start3A_148 : memref<128x128xf32, #tpu.memory_space<vmem>>) target(%dma_start3A_144 : memref<128x128xf32, #tpu.memory_space<hbm>>) target_semaphore(%arg13 : memref<!tpu.dma_semaphore, #tpu.memory_space<semaphore_mem>>)
      %mul3A_149 = arith.constant 4 : i32
      %mul3A_150 = arith.muli %scan3A_59, %mul3A_149 : i32
      %add3A_151 = arith.constant 2 : i32
      %add3A_152 = arith.addi %mul3A_150, %add3A_151 : i32
      %ge3A_153 = arith.constant 1 : i32
      %ge3A_154 = arith.cmpi sge, %add3A_152, %ge3A_153 : i32
      %convert_element_type3A_155 = arith.extui %ge3A_154 : i1 to i32
      %cond3A_156 = arith.constant 0 : i32
      %cond3A_157 = arith.cmpi ne, %convert_element_type3A_155, %cond3A_156 : i32
      scf.if %cond3A_157 {
        %dma_wait3A_241 = arith.constant 1 : i32
        %dma_wait3A_242 = arith.constant 0 : i32
        %dma_wait3A_243 = arith.constant 0 : i32
        %dma_wait3A_244 = tpu.memref_slice %arg6[%dma_wait3A_241, %dma_wait3A_242, %dma_wait3A_243] : memref<4x128x128xf32, #tpu.memory_space<vmem>> -> memref<1x128x128xf32, #tpu.memory_space<vmem>>
        %dma_wait3A_245 = tpu.memref_squeeze %dma_wait3A_244 : memref<1x128x128xf32, #tpu.memory_space<vmem>> -> memref<128x128xf32, #tpu.memory_space<vmem>>
        %dma_wait3A_246 = arith.constant 0 : i32
        %dma_wait3A_247 = tpu.memref_slice %arg4[%mul3A_6, %dma_wait3A_246] : memref<819200x128xf32, #tpu.memory_space<hbm>> -> memref<128x128xf32, #tpu.memory_space<hbm>>
        %dma_wait3A_248 = arith.constant 0 : i32
        %dma_wait3A_249 = tpu.memref_slice %arg4[%mul3A_6, %dma_wait3A_248] : memref<819200x128xf32, #tpu.memory_space<hbm>> -> memref<128x128xf32, #tpu.memory_space<hbm>>
        %dma_wait3A_250 = arith.constant 0 : i32
        %dma_wait3A_251 = arith.constant 0 : i32
        %dma_wait3A_252 = tpu.memref_slice %arg6[%dma_wait3A_241, %dma_wait3A_250, %dma_wait3A_251] : memref<4x128x128xf32, #tpu.memory_space<vmem>> -> memref<1x128x128xf32, #tpu.memory_space<vmem>>
        %dma_wait3A_253 = tpu.memref_squeeze %dma_wait3A_252 : memref<1x128x128xf32, #tpu.memory_space<vmem>> -> memref<128x128xf32, #tpu.memory_space<vmem>>
        tpu.wait_dma2 semaphore(%arg13 : memref<!tpu.dma_semaphore, #tpu.memory_space<semaphore_mem>>) src(%dma_wait3A_253 : memref<128x128xf32, #tpu.memory_space<vmem>>) dst(%dma_wait3A_249 : memref<128x128xf32, #tpu.memory_space<hbm>>)
      } else {
      }
      %add3A_158 = arith.constant 4 : i32
      %add3A_159 = arith.addi %add3A_152, %add3A_158 : i32
      %sub3A_160 = arith.constant 1 : i32
      %sub3A_161 = arith.subi %add3A_159, %sub3A_160 : i32
      %lt3A_162 = arith.constant 200 : i32
      %lt3A_163 = arith.cmpi slt, %sub3A_161, %lt3A_162 : i32
      %convert_element_type3A_164 = arith.extui %lt3A_163 : i1 to i32
      %cond3A_165 = arith.constant 0 : i32
      %cond3A_166 = arith.cmpi ne, %convert_element_type3A_164, %cond3A_165 : i32
      scf.if %cond3A_166 {
        %add3A_241 = arith.constant 4 : i32
        %add3A_242 = arith.addi %add3A_152, %add3A_241 : i32
        %sub3A_243 = arith.constant 1 : i32
        %sub3A_244 = arith.subi %add3A_242, %sub3A_243 : i32
        %dma_start3A_245 = arith.constant 1 : i32
        %dma_start3A_246 = arith.constant 0 : i32
        %dma_start3A_247 = arith.constant 0 : i32
        %dma_start3A_248 = tpu.memref_slice %arg6[%dma_start3A_245, %dma_start3A_246, %dma_start3A_247] : memref<4x128x128xf32, #tpu.memory_space<vmem>> -> memref<1x128x128xf32, #tpu.memory_space<vmem>>
        %dma_start3A_249 = tpu.memref_squeeze %dma_start3A_248 : memref<1x128x128xf32, #tpu.memory_space<vmem>> -> memref<128x128xf32, #tpu.memory_space<vmem>>
        %dma_start3A_250 = arith.constant 0 : i32
        %dma_start3A_251 = tpu.memref_slice %arg5[%sub3A_244, %dma_start3A_250] : memref<200x128xi32, #tpu.memory_space<vmem>> -> memref<1x128xi32, #tpu.memory_space<vmem>>
        %dma_start3A_252 = tpu.memref_squeeze %dma_start3A_251 : memref<1x128xi32, #tpu.memory_space<vmem>> -> memref<128xi32, #tpu.memory_space<vmem>>
        %dma_start3A_253 = arith.constant 0 : i32
        %dma_start3A_254 = arith.constant 0 : i32
        %dma_start3A_255 = tpu.memref_slice %arg7[%dma_start3A_253, %dma_start3A_254] : memref<64x128xf32, #tpu.memory_space<vmem_shared>> -> memref<64x128xf32, #tpu.memory_space<vmem_shared>>
        tpu.enqueue_indirect_dma source(%dma_start3A_255 : memref<64x128xf32, #tpu.memory_space<vmem_shared>>) target(%dma_start3A_249 : memref<128x128xf32, #tpu.memory_space<vmem>>) offsets(%dma_start3A_252 : memref<128xi32, #tpu.memory_space<vmem>>) semaphore(%arg9 : memref<!tpu.dma_semaphore, #tpu.memory_space<semaphore_mem>>)
      } else {
      }
      %dma_wait3A_167 = arith.constant 0 : i32
      %dma_wait3A_168 = arith.constant 2 : i32
      %dma_wait3A_169 = arith.constant 0 : i32
      %dma_wait3A_170 = arith.constant 0 : i32
      %dma_wait3A_171 = tpu.memref_slice %arg6[%dma_wait3A_168, %dma_wait3A_169, %dma_wait3A_170] : memref<4x128x128xf32, #tpu.memory_space<vmem>> -> memref<1x128x128xf32, #tpu.memory_space<vmem>>
      %dma_wait3A_172 = tpu.memref_squeeze %dma_wait3A_171 : memref<1x128x128xf32, #tpu.memory_space<vmem>> -> memref<128x128xf32, #tpu.memory_space<vmem>>
      %dma_wait3A_173 = arith.constant 0 : i32
      %dma_wait3A_174 = tpu.memref_slice %arg5[%dma_wait3A_167, %dma_wait3A_173] : memref<200x128xi32, #tpu.memory_space<vmem>> -> memref<1x128xi32, #tpu.memory_space<vmem>>
      %dma_wait3A_175 = tpu.memref_squeeze %dma_wait3A_174 : memref<1x128xi32, #tpu.memory_space<vmem>> -> memref<128xi32, #tpu.memory_space<vmem>>
      %dma_wait3A_176 = arith.constant 0 : i32
      %dma_wait3A_177 = arith.constant 0 : i32
      %dma_wait3A_178 = tpu.memref_slice %arg7[%dma_wait3A_176, %dma_wait3A_177] : memref<64x128xf32, #tpu.memory_space<vmem_shared>> -> memref<64x128xf32, #tpu.memory_space<vmem_shared>>
      tpu.wait_indirect_dma semaphore(%arg10 : memref<!tpu.dma_semaphore, #tpu.memory_space<semaphore_mem>>) src(%dma_wait3A_178 : memref<64x128xf32, #tpu.memory_space<vmem_shared>>) dst(%dma_wait3A_172 : memref<128x128xf32, #tpu.memory_space<vmem>>)
      %mul3A_179 = arith.constant 128 : i32
      %mul3A_180 = arith.muli %add3A_152, %mul3A_179 : i32
      %add3A_181 = arith.addi %mul3A_6, %mul3A_180 : i32
      %dma_start3A_182 = arith.constant 2 : i32
      %dma_start3A_183 = arith.constant 0 : i32
      %dma_start3A_184 = arith.constant 0 : i32
      %dma_start3A_185 = tpu.memref_slice %arg6[%dma_start3A_182, %dma_start3A_183, %dma_start3A_184] : memref<4x128x128xf32, #tpu.memory_space<vmem>> -> memref<1x128x128xf32, #tpu.memory_space<vmem>>
      %dma_start3A_186 = tpu.memref_squeeze %dma_start3A_185 : memref<1x128x128xf32, #tpu.memory_space<vmem>> -> memref<128x128xf32, #tpu.memory_space<vmem>>
      %dma_start3A_187 = arith.constant 0 : i32
      %dma_start3A_188 = tpu.memref_slice %arg4[%add3A_181, %dma_start3A_187] : memref<819200x128xf32, #tpu.memory_space<hbm>> -> memref<128x128xf32, #tpu.memory_space<hbm>>
      %dma_start3A_189 = arith.constant 0 : i32
      %dma_start3A_190 = tpu.memref_slice %arg4[%add3A_181, %dma_start3A_189] : memref<819200x128xf32, #tpu.memory_space<hbm>> -> memref<128x128xf32, #tpu.memory_space<hbm>>
      %dma_start3A_191 = arith.constant 0 : i32
      %dma_start3A_192 = arith.constant 0 : i32
      %dma_start3A_193 = tpu.memref_slice %arg6[%dma_start3A_182, %dma_start3A_191, %dma_start3A_192] : memref<4x128x128xf32, #tpu.memory_space<vmem>> -> memref<1x128x128xf32, #tpu.memory_space<vmem>>
      %dma_start3A_194 = tpu.memref_squeeze %dma_start3A_193 : memref<1x128x128xf32, #tpu.memory_space<vmem>> -> memref<128x128xf32, #tpu.memory_space<vmem>>
      tpu.enqueue_dma source(%dma_start3A_194 : memref<128x128xf32, #tpu.memory_space<vmem>>) target(%dma_start3A_190 : memref<128x128xf32, #tpu.memory_space<hbm>>) target_semaphore(%arg14 : memref<!tpu.dma_semaphore, #tpu.memory_space<semaphore_mem>>)
      %mul3A_195 = arith.constant 4 : i32
      %mul3A_196 = arith.muli %scan3A_59, %mul3A_195 : i32
      %add3A_197 = arith.constant 3 : i32
      %add3A_198 = arith.addi %mul3A_196, %add3A_197 : i32
      %ge3A_199 = arith.constant 1 : i32
      %ge3A_200 = arith.cmpi sge, %add3A_198, %ge3A_199 : i32
      %convert_element_type3A_201 = arith.extui %ge3A_200 : i1 to i32
      %cond3A_202 = arith.constant 0 : i32
      %cond3A_203 = arith.cmpi ne, %convert_element_type3A_201, %cond3A_202 : i32
      scf.if %cond3A_203 {
        %dma_wait3A_241 = arith.constant 2 : i32
        %dma_wait3A_242 = arith.constant 0 : i32
        %dma_wait3A_243 = arith.constant 0 : i32
        %dma_wait3A_244 = tpu.memref_slice %arg6[%dma_wait3A_241, %dma_wait3A_242, %dma_wait3A_243] : memref<4x128x128xf32, #tpu.memory_space<vmem>> -> memref<1x128x128xf32, #tpu.memory_space<vmem>>
        %dma_wait3A_245 = tpu.memref_squeeze %dma_wait3A_244 : memref<1x128x128xf32, #tpu.memory_space<vmem>> -> memref<128x128xf32, #tpu.memory_space<vmem>>
        %dma_wait3A_246 = arith.constant 0 : i32
        %dma_wait3A_247 = tpu.memref_slice %arg4[%mul3A_6, %dma_wait3A_246] : memref<819200x128xf32, #tpu.memory_space<hbm>> -> memref<128x128xf32, #tpu.memory_space<hbm>>
        %dma_wait3A_248 = arith.constant 0 : i32
        %dma_wait3A_249 = tpu.memref_slice %arg4[%mul3A_6, %dma_wait3A_248] : memref<819200x128xf32, #tpu.memory_space<hbm>> -> memref<128x128xf32, #tpu.memory_space<hbm>>
        %dma_wait3A_250 = arith.constant 0 : i32
        %dma_wait3A_251 = arith.constant 0 : i32
        %dma_wait3A_252 = tpu.memref_slice %arg6[%dma_wait3A_241, %dma_wait3A_250, %dma_wait3A_251] : memref<4x128x128xf32, #tpu.memory_space<vmem>> -> memref<1x128x128xf32, #tpu.memory_space<vmem>>
        %dma_wait3A_253 = tpu.memref_squeeze %dma_wait3A_252 : memref<1x128x128xf32, #tpu.memory_space<vmem>> -> memref<128x128xf32, #tpu.memory_space<vmem>>
        tpu.wait_dma2 semaphore(%arg14 : memref<!tpu.dma_semaphore, #tpu.memory_space<semaphore_mem>>) src(%dma_wait3A_253 : memref<128x128xf32, #tpu.memory_space<vmem>>) dst(%dma_wait3A_249 : memref<128x128xf32, #tpu.memory_space<hbm>>)
      } else {
      }
      %add3A_204 = arith.constant 4 : i32
      %add3A_205 = arith.addi %add3A_198, %add3A_204 : i32
      %sub3A_206 = arith.constant 1 : i32
      %sub3A_207 = arith.subi %add3A_205, %sub3A_206 : i32
      %lt3A_208 = arith.constant 200 : i32
      %lt3A_209 = arith.cmpi slt, %sub3A_207, %lt3A_208 : i32
      %convert_element_type3A_210 = arith.extui %lt3A_209 : i1 to i32
      %cond3A_211 = arith.constant 0 : i32
      %cond3A_212 = arith.cmpi ne, %convert_element_type3A_210, %cond3A_211 : i32
      scf.if %cond3A_212 {
        %add3A_241 = arith.constant 4 : i32
        %add3A_242 = arith.addi %add3A_198, %add3A_241 : i32
        %sub3A_243 = arith.constant 1 : i32
        %sub3A_244 = arith.subi %add3A_242, %sub3A_243 : i32
        %dma_start3A_245 = arith.constant 2 : i32
        %dma_start3A_246 = arith.constant 0 : i32
        %dma_start3A_247 = arith.constant 0 : i32
        %dma_start3A_248 = tpu.memref_slice %arg6[%dma_start3A_245, %dma_start3A_246, %dma_start3A_247] : memref<4x128x128xf32, #tpu.memory_space<vmem>> -> memref<1x128x128xf32, #tpu.memory_space<vmem>>
        %dma_start3A_249 = tpu.memref_squeeze %dma_start3A_248 : memref<1x128x128xf32, #tpu.memory_space<vmem>> -> memref<128x128xf32, #tpu.memory_space<vmem>>
        %dma_start3A_250 = arith.constant 0 : i32
        %dma_start3A_251 = tpu.memref_slice %arg5[%sub3A_244, %dma_start3A_250] : memref<200x128xi32, #tpu.memory_space<vmem>> -> memref<1x128xi32, #tpu.memory_space<vmem>>
        %dma_start3A_252 = tpu.memref_squeeze %dma_start3A_251 : memref<1x128xi32, #tpu.memory_space<vmem>> -> memref<128xi32, #tpu.memory_space<vmem>>
        %dma_start3A_253 = arith.constant 0 : i32
        %dma_start3A_254 = arith.constant 0 : i32
        %dma_start3A_255 = tpu.memref_slice %arg7[%dma_start3A_253, %dma_start3A_254] : memref<64x128xf32, #tpu.memory_space<vmem_shared>> -> memref<64x128xf32, #tpu.memory_space<vmem_shared>>
        tpu.enqueue_indirect_dma source(%dma_start3A_255 : memref<64x128xf32, #tpu.memory_space<vmem_shared>>) target(%dma_start3A_249 : memref<128x128xf32, #tpu.memory_space<vmem>>) offsets(%dma_start3A_252 : memref<128xi32, #tpu.memory_space<vmem>>) semaphore(%arg10 : memref<!tpu.dma_semaphore, #tpu.memory_space<semaphore_mem>>)
      } else {
      }
      %dma_wait3A_213 = arith.constant 0 : i32
      %dma_wait3A_214 = arith.constant 3 : i32
      %dma_wait3A_215 = arith.constant 0 : i32
      %dma_wait3A_216 = arith.constant 0 : i32
      %dma_wait3A_217 = tpu.memref_slice %arg6[%dma_wait3A_214, %dma_wait3A_215, %dma_wait3A_216] : memref<4x128x128xf32, #tpu.memory_space<vmem>> -> memref<1x128x128xf32, #tpu.memory_space<vmem>>
      %dma_wait3A_218 = tpu.memref_squeeze %dma_wait3A_217 : memref<1x128x128xf32, #tpu.memory_space<vmem>> -> memref<128x128xf32, #tpu.memory_space<vmem>>
      %dma_wait3A_219 = arith.constant 0 : i32
      %dma_wait3A_220 = tpu.memref_slice %arg5[%dma_wait3A_213, %dma_wait3A_219] : memref<200x128xi32, #tpu.memory_space<vmem>> -> memref<1x128xi32, #tpu.memory_space<vmem>>
      %dma_wait3A_221 = tpu.memref_squeeze %dma_wait3A_220 : memref<1x128xi32, #tpu.memory_space<vmem>> -> memref<128xi32, #tpu.memory_space<vmem>>
      %dma_wait3A_222 = arith.constant 0 : i32
      %dma_wait3A_223 = arith.constant 0 : i32
      %dma_wait3A_224 = tpu.memref_slice %arg7[%dma_wait3A_222, %dma_wait3A_223] : memref<64x128xf32, #tpu.memory_space<vmem_shared>> -> memref<64x128xf32, #tpu.memory_space<vmem_shared>>
      tpu.wait_indirect_dma semaphore(%arg11 : memref<!tpu.dma_semaphore, #tpu.memory_space<semaphore_mem>>) src(%dma_wait3A_224 : memref<64x128xf32, #tpu.memory_space<vmem_shared>>) dst(%dma_wait3A_218 : memref<128x128xf32, #tpu.memory_space<vmem>>)
      %mul3A_225 = arith.constant 128 : i32
      %mul3A_226 = arith.muli %add3A_198, %mul3A_225 : i32
      %add3A_227 = arith.addi %mul3A_6, %mul3A_226 : i32
      %dma_start3A_228 = arith.constant 3 : i32
      %dma_start3A_229 = arith.constant 0 : i32
      %dma_start3A_230 = arith.constant 0 : i32
      %dma_start3A_231 = tpu.memref_slice %arg6[%dma_start3A_228, %dma_start3A_229, %dma_start3A_230] : memref<4x128x128xf32, #tpu.memory_space<vmem>> -> memref<1x128x128xf32, #tpu.memory_space<vmem>>
      %dma_start3A_232 = tpu.memref_squeeze %dma_start3A_231 : memref<1x128x128xf32, #tpu.memory_space<vmem>> -> memref<128x128xf32, #tpu.memory_space<vmem>>
      %dma_start3A_233 = arith.constant 0 : i32
      %dma_start3A_234 = tpu.memref_slice %arg4[%add3A_227, %dma_start3A_233] : memref<819200x128xf32, #tpu.memory_space<hbm>> -> memref<128x128xf32, #tpu.memory_space<hbm>>
      %dma_start3A_235 = arith.constant 0 : i32
      %dma_start3A_236 = tpu.memref_slice %arg4[%add3A_227, %dma_start3A_235] : memref<819200x128xf32, #tpu.memory_space<hbm>> -> memref<128x128xf32, #tpu.memory_space<hbm>>
      %dma_start3A_237 = arith.constant 0 : i32
      %dma_start3A_238 = arith.constant 0 : i32
      %dma_start3A_239 = tpu.memref_slice %arg6[%dma_start3A_228, %dma_start3A_237, %dma_start3A_238] : memref<4x128x128xf32, #tpu.memory_space<vmem>> -> memref<1x128x128xf32, #tpu.memory_space<vmem>>
      %dma_start3A_240 = tpu.memref_squeeze %dma_start3A_239 : memref<1x128x128xf32, #tpu.memory_space<vmem>> -> memref<128x128xf32, #tpu.memory_space<vmem>>
      tpu.enqueue_dma source(%dma_start3A_240 : memref<128x128xf32, #tpu.memory_space<vmem>>) target(%dma_start3A_236 : memref<128x128xf32, #tpu.memory_space<hbm>>) target_semaphore(%arg15 : memref<!tpu.dma_semaphore, #tpu.memory_space<semaphore_mem>>)
    }
    %scan3A_46 = arith.constant 50 : i32
    %dma_wait3A = arith.constant 3 : i32
    %dma_wait3A_47 = arith.constant 0 : i32
    %dma_wait3A_48 = arith.constant 0 : i32
    %dma_wait3A_49 = tpu.memref_slice %arg6[%dma_wait3A, %dma_wait3A_47, %dma_wait3A_48] : memref<4x128x128xf32, #tpu.memory_space<vmem>> -> memref<1x128x128xf32, #tpu.memory_space<vmem>>
    %dma_wait3A_50 = tpu.memref_squeeze %dma_wait3A_49 : memref<1x128x128xf32, #tpu.memory_space<vmem>> -> memref<128x128xf32, #tpu.memory_space<vmem>>
    %dma_wait3A_51 = arith.constant 0 : i32
    %dma_wait3A_52 = tpu.memref_slice %arg4[%mul3A_6, %dma_wait3A_51] : memref<819200x128xf32, #tpu.memory_space<hbm>> -> memref<128x128xf32, #tpu.memory_space<hbm>>
    %dma_wait3A_53 = arith.constant 0 : i32
    %dma_wait3A_54 = tpu.memref_slice %arg4[%mul3A_6, %dma_wait3A_53] : memref<819200x128xf32, #tpu.memory_space<hbm>> -> memref<128x128xf32, #tpu.memory_space<hbm>>
    %dma_wait3A_55 = arith.constant 0 : i32
    %dma_wait3A_56 = arith.constant 0 : i32
    %dma_wait3A_57 = tpu.memref_slice %arg6[%dma_wait3A, %dma_wait3A_55, %dma_wait3A_56] : memref<4x128x128xf32, #tpu.memory_space<vmem>> -> memref<1x128x128xf32, #tpu.memory_space<vmem>>
    %dma_wait3A_58 = tpu.memref_squeeze %dma_wait3A_57 : memref<1x128x128xf32, #tpu.memory_space<vmem>> -> memref<128x128xf32, #tpu.memory_space<vmem>>
    tpu.wait_dma2 semaphore(%arg15 : memref<!tpu.dma_semaphore, #tpu.memory_space<semaphore_mem>>) src(%dma_wait3A_58 : memref<128x128xf32, #tpu.memory_space<vmem>>) dst(%dma_wait3A_54 : memref<128x128xf32, #tpu.memory_space<hbm>>)
    return
  }
}

</mosaic_0001>

<sc_bundles>
// kernel: kernel.3.cloned.1.call-start
scs
__scs_entry_jumppad:
0x0: {  	(pc) =	sbr.rel $0x88, $3  }
0x1: {  	(tag) =	ssettag $0x0;
	lr =	simm.s32 $0x1  }
0x2: {  	[smem:$0x3F9F] =	sst lr;
	_ =	strace $0xD0000000  }
0x3: {  	_ = 	snop  }
0x4: {  	_ = 	snop  }
0x5: {  	_ = 	snop  }
0x6: {  	_ = 	snop  }
0x7: {  	_ = 	snop  }
__scs_overlays_trampoline_lowered:
0x8: {  	[smem:$0x3FAE] =	sst s0  }
0x9: {  	[smem:$0x3FAF] =	sst s1  }
0xa: {  	[smem:$0x3FB0] =	sst s2  }
0xb: {  	[smem:$0x3FB1] =	sst s3  }
0xc: {  	[smem:$0x3FB2] =	sst s4  }
0xd: {  	[smem:$0x3FB3] =	sst s5  }
0xe: {  	[smem:$0x3FB4] =	sst s6  }
0xf: {  	[smem:$0x3FB5] =	sst s7  }
0x10: {  	[smem:$0x3FB6] =	sst s8  }
0x11: {  	[smem:$0x3FB7] =	sst s9;
	s0 =	simm.s32 @!p0 $0x0  }
0x12: {  	s1 =	sld [smem:$0x3F9D];
	s0 =	simm.s32 @p0 $0x1  }
0x13: {  	[smem:$0x3FB8] =	sst s0;
	s0 =	simm.s32 @!p1 $0x0  }
0x14: {  	s2 =	sld [smem:$0x3F9C];
	s0 =	simm.s32 @p1 $0x1  }
0x15: {  	[smem:$0x3FB9] =	sst s0;
	s0 =	simm.s32 @!p2 $0x0  }
0x16: {  	s3 =	sld [smem:$0x3FDB];
	s0 =	simm.s32 @p2 $0x1  }
0x17: {  	s4 =	simm.s32 $0x1BF5;
	[smem:$0x3FBB] =	sst s0  }
0x18: {  	s0 =	sld [smem:$0x3F9E];
	_ =	swait.ge [sflag:s4], $0x0  }
0x19: {  	s7 =	sld [smem:$0x3F9F]  }
0x1a: {  	s8 =	sadd.s32 $0xFFFFE003, lr  }
0x1b: {  	s9 =	sadd.s32 $0xFFFFFEF7, lr;
	s5 =	simm.s32 $0xFFFFFFFF;
	p2 =	slt.u32 s8, $0xFFFFF086  }
0x1c: {  	p1 =	slt.u32 s9, $0xF7A;
	s5 =	simm.s32 @!p2 $0x0  }
0x1d: {  	s5 =	simm.s32 @p1 $0x1;
	p0 =	seq.s32 s7, s2  }
0x1e: {  	s7 =	smul.u32 @!p0 $0xF7A, s2;
	p2 =	seq.s32 @!p0 s5, $0x0  }
0x1f: {  	s9 =	smul.u32 $0xF7A, s1;
	s8 =	simm.s32 @!p0 $0x1BF5;
	p2 =	por !p2, p0  }
0x20: {  	[sflag:s8] =	ssyncset.s32 @!p0 $0xFFFFF086;
	s6 =	sadd.s32 @!p0 s3, s7;
	s7 =	simm.s32 @!p0 $0x108  }
0x21: {  	s3 =	sadd.s32 s3, s9;
	s6 =	sadd.s32 @!p0 $0x88, s6;
	s7 =	simm.s32 @p2 $0x1082  }
0x22: {  	[simem:s7], [sflag:s8] =	dma.local @!p0 [hbm:s6], $0xF7A  }
0x23: {  	s9 =	sor.u32 $0xD0000000, s2;
	s6 =	simm.s32 $0x108;
	_ =	swait.ge @!p0 [sflag:s8], $0x0  }
0x24: {  	s3 =	sadd.s32 $0x88, s3;
	s6 =	simm.s32 @!p1 $0x1082;
	[sflag:s4] =	ssyncset.s32 $0xFFFFF086  }
0x25: {  	[simem:s6], [sflag:s4] =	dma.local [hbm:s3], $0xF7A  }
0x26: {  	[smem:$0x3F9F] =	sst s1;
	(tag) =	ssettag s2;
	_ =	strace s9  }
0x27: {  	s1 =	sld [smem:$0x3FAF]  }
0x28: {  	s2 =	sld [smem:$0x3FB0]  }
0x29: {  	s4 =	sld [smem:$0x3FB2]  }
0x2a: {  	p0 =	seq.s32 s5, $0x0;
	s5 =	sld [smem:$0x3FB3]  }
0x2b: {  	s6 =	sld [smem:$0x3FB4]  }
0x2c: {  	s7 =	sld [smem:$0x3FB5]  }
0x2d: {  	s3 =	simm.s32 $0x108;
	s8 =	sld [smem:$0x3FB6]  }
0x2e: {  	s3 =	simm.s32 @!p0 $0x1082;
	s9 =	sld [smem:$0x3FB7]  }
0x2f: {  	lr =	sadd.s32 s0, s3;
	s0 =	sld [smem:$0x3FAE]  }
0x30: {  	s3 =	sld [smem:$0x3FB1]  }
0x31: {  	[smem:$0x3FBA] =	sst s10  }
0x32: {  	s10 =	sld [smem:$0x3FB8];
	_ =	sdelay $0x3  }
0x33: {  	p0 =	seq.s32 s10, $0x1;
	s10 =	sld [smem:$0x3FBA];
	_ =	sdelay $0x3  }
0x34: {  	[smem:$0x3FBA] =	sst s10  }
0x35: {  	s10 =	sld [smem:$0x3FB9];
	_ =	sdelay $0x3  }
0x36: {  	p1 =	seq.s32 s10, $0x1;
	s10 =	sld [smem:$0x3FBA];
	_ =	sdelay $0x3  }
0x37: {  	[smem:$0x3FBA] =	sst s10  }
0x38: {  	s10 =	sld [smem:$0x3FBB]  }
0x39: {  	_ = 	snop;
	(pc) =	sbr.ind lr, $3  }
0x3a: {  	_ = 	snop  }
0x3b: {  	_ = 	snop  }
0x3c: {  	p2 =	seq.s32 s10, $0x1;
	s10 =	sld [smem:$0x3FBA]  }
0x3d: {  	_ =	shalt  }
0x3e: {  	_ =	shalt  }
0x3f: {  	_ =	shalt  }
0x40: {  	_ =	shalt  }
0x41: {  	_ =	shalt  }
0x42: {  	_ =	shalt  }
0x43: {  	_ =	shalt  }
0x44: {  	_ =	shalt  }
0x45: {  	_ =	shalt  }
0x46: {  	_ =	shalt  }
0x47: {  	_ =	shalt  }
0x48: {  	_ =	shalt  }
0x49: {  	_ =	shalt  }
0x4a: {  	_ =	shalt  }
0x4b: {  	_ =	shalt  }
0x4c: {  	_ =	shalt  }
0x4d: {  	_ =	shalt  }
0x4e: {  	_ =	shalt  }
0x4f: {  	_ =	shalt  }
0x50: {  	_ =	shalt  }
0x51: {  	_ =	shalt  }
0x52: {  	_ =	shalt  }
0x53: {  	_ =	shalt  }
0x54: {  	_ =	shalt  }
0x55: {  	_ =	shalt  }
0x56: {  	_ =	shalt  }
0x57: {  	_ =	shalt  }
0x58: {  	_ =	shalt  }
0x59: {  	_ =	shalt  }
0x5a: {  	_ =	shalt  }
0x5b: {  	_ =	shalt  }
0x5c: {  	_ =	shalt  }
0x5d: {  	_ =	shalt  }
0x5e: {  	_ =	shalt  }
0x5f: {  	_ =	shalt  }
0x60: {  	_ =	shalt  }
0x61: {  	_ =	shalt  }
0x62: {  	_ =	shalt  }
0x63: {  	_ =	shalt  }
0x64: {  	_ =	shalt  }
0x65: {  	_ =	shalt  }
0x66: {  	_ =	shalt  }
0x67: {  	_ =	shalt  }
0x68: {  	_ =	shalt  }
0x69: {  	_ =	shalt  }
0x6a: {  	_ =	shalt  }
0x6b: {  	_ =	shalt  }
0x6c: {  	_ =	shalt  }
0x6d: {  	_ =	shalt  }
0x6e: {  	_ =	shalt  }
0x6f: {  	_ =	shalt  }
0x70: {  	_ =	shalt  }
0x71: {  	_ =	shalt  }
0x72: {  	_ =	shalt  }
0x73: {  	_ =	shalt  }
0x74: {  	_ =	shalt  }
0x75: {  	_ =	shalt  }
0x76: {  	_ =	shalt  }
0x77: {  	_ =	shalt  }
0x78: {  	_ =	shalt  }
0x79: {  	_ =	shalt  }
0x7a: {  	_ =	shalt  }
0x7b: {  	_ =	shalt  }
0x7c: {  	_ =	shalt  }
0x7d: {  	_ =	shalt  }
0x7e: {  	_ =	shalt  }
0x7f: {  	_ =	shalt  }
0x80: {  	_ =	shalt  }
0x81: {  	_ =	shalt  }
0x82: {  	_ =	shalt  }
0x83: {  	_ =	shalt  }
0x84: {  	_ =	shalt  }
0x85: {  	_ =	shalt  }
0x86: {  	_ =	shalt  }
0x87: {  	_ =	shalt  }
.Lfunc_end0:
.L_simem_size_0:
called_computation_lowered:
.L_overlay_start_0:
0x88: {  	s2 =	sld [smem:$0x3FD9]  }
0x89: {  	s3 =	sld [smem:$0x3FFE];
	_ =	sdelay $0x1  }
0x8a: {  	s1 =	srdreg.scid  }
0x8b: {  	s0 =	sand.u32 $0x1, s1  }
0x8c: {  	s17 =	sshll.u32 s0, $0xA;
	s2 =	sadd.s32 s3, s2  }
0x8d: {  	s2 =	sadd.s32 s2, s17  }
0x8e: {  	[smem:$0x3FC6] =	sst s2  }
0x8f: {  	_ = 	snop  }
0x90: {  	s2 =	sld [smem:$0x3FC8]  }
0x91: {  	s18 =	sld [smem:$0x3FD0];
	(tm) =	ssettm $0x1  }
0x92: {  	s4 =	sld [smem:$0x3FFB];
	_ =	sdelay $0x3  }
0x93: {  	_ =	strace s4  }
0x94: {  	s4 =	sld [smem:$0x3FFC];
	_ =	sdelay $0x3  }
0x95: {  	_ =	strace s4  }
0x96: {  	s4 =	sld [smem:$0x3FFD];
	_ =	sdelay $0x3  }
0x97: {  	_ =	strace s4  }
0x98: {  	_ =	strace $0x8FFFFFFF  }
0x99: {  	s19 =	sld [smem:$0x3FDB];
	_ =	sdelay $0x1  }
0x9a: {  	s5 =	simm.s32 $_scs_section_size  }
0x9b: {  	s6 =	simm.s32 $_size__tile_overlayer_lowered;
	s7 =	simm.s32 $_tile_overlayer_lowered  }
0x9c: {  	s22 =	simm.s32 $0x1BFF;
	s21 =	sshll.u32 s7, $0x1;
	s4 =	sadd.s32 s5, s19  }
0x9d: {  	s8 =	simm.s32 $0x0;
	s20 =	sshll.u32 s6, $0x1;
	s6 =	sadd.s32 s21, s4  }
0x9e: {  	[timem:s8], [sflag:s22] =	dma.local [hbm:s6], s20  }
0x9f: {  	_ =	swait.ge [sflag:s22], s20  }
0xa0: {  	s5 =	ssub.s32 $0x0, s20;
	[sflag:s22] =	ssyncset.done $0x0  }
0xa1: {  	[sflag:s22] =	ssyncadd.s32 s5;
	_ =	sdelay $0x1  }
0xa2: {  	s23 =	simm.s32 $0x1B8B  }
0xa3: {  	_ =	swait.ge [sflag:s23], $0x1  }
0xa4: {  	[sflag:s23] =	ssyncset.done $0x0  }
0xa5: {  	s25 =	simm.s32 $0x1B8E;
	s24 =	sld [smem:$0x3FFE];
	[sflag:s23] =	ssyncadd.s32 $0xFFFFFFFF  }
0xa6: {  	s26 =	simm.s32 $execute0_lowered;
	[smem:$0x3FD2] =	sst s25  }
0xa7: {  	s6 =	sshll.u32 s26, $0x1;
	_ =	strace $0x80000046;
	[dreg:$0x1] =	wrdreg $0xFFFFFFFF  }
0xa8: {  	s28 =	simm.s32 $_size_execute0_lowered;
	s4 =	sadd.s32 s4, s6;
	[dreg:$0x0] =	wrdreg $0x0  }
0xa9: {  	s6 =	sshll.u32 s28, $0x1;
	[dreg:$0x2] =	wrdreg s4  }
0xaa: {  	[dreg:$0x3] =	wrdreg s6  }
0xab: {  	[dreg:$0x4] =	wrdreg $0xC0  }
0xac: {  	_ =	task [dreg:s8], $0x5FFFF  }
0xad: {  	[dreg:$0x1] =	wrdreg $0xFFFFFFFF  }
0xae: {  	[dreg:$0x0] =	wrdreg $0x60  }
0xaf: {  	[dreg:$0x2] =	wrdreg s24  }
0xb0: {  	[dreg:$0x3] =	wrdreg s2  }
0xb1: {  	[dreg:$0x4] =	wrdreg s18  }
0xb2: {  	[dreg:$0x5] =	wrdreg $0x164000  }
0xb3: {  	[dreg:$0x6] =	wrdreg $0x9  }
0xb4: {  	_ =	task.clear_ibuf [dreg:s8], $0x7FFFF;
	_ =	strace $0x90000046  }
0xb5: {  	s29 =	simm.s32 $0x9;
	_ =	strace $0x80000048  }
0xb6: {  	_ =	swait.ge [sflag:s29], $0x1  }
0xb7: {  	[sflag:s29] =	ssyncadd.s32 $0xFFFFFFFF  }
0xb8: {  	_ =	strace $0x90000048  }
0xb9: {  	_ =	sfence  }
0xba: {  	s30 =	sld [smem:$0x0];
	_ =	sdelay $0x2  }
0xbb: {  	s31 =	sshll.u32 s1, $0xD;
	s1 =	sshrl.u32 s1, $0x2  }
0xbc: {  	s3 =	sand.u32 $0x4000, s31;
	s1 =	sadd.s32 s1, s30  }
0xbd: {  	s0 =	sor.u32 s3, s0;
	s1 =	sshll.u32 s1, $0x11  }
0xbe: {  	s0 =	sor.u32 s1, s0  }
0xbf: {  	s0 =	sadd.s32 $0x8F2B, s0  }
0xc0: {  	[sflag:s0] =	ssyncadd.remote.s32 $0x1  }
0xc1: {  	_ =	sfence.sel $0xFFFF  }
0xc2: {  	[dreg:$0x0] =	wrdreg $0xFFFFFFFF;
	(pc) =	sbr.abs _section_cstart, $3  }
0xc3: {  	[dreg:$0x1] =	wrdreg $0xFFFFFFFF  }
0xc4: {  	_ =	task.clear_ibuf [dreg:s8], $0x2FFFF;
	_ =	strace $0x9FFFFFFF  }
0xc5: {  	(tm) =	ssettm $0x7FFFFFFF  }
tec
execute0_lowered:
.L_overlay_start_1:
0x0: {  	(tag) =	ssettag $0x1  }
0x1: {  	s1 =	rddreg [dreg:$0x0];
	s2 =	srdreg.scid  }
0x2: {  	s8 =	stileid.u32;
	s9 =	rddreg [dreg:$0x2];
	s12 =	simm.s32 $0x6400  }
0x3: {  	s13 =	simm.s32 $0xA400;
	s15 =	simm.s32 $0xE400;
	s16 =	simm.s32 $0x12400  }
0x4: {  	s17 =	simm.s32 $0x1;
	s18 =	simm.s32 $0x5;
	s19 =	simm.s32 $0x2  }
0x5: {  	s20 =	simm.s32 $0x6;
	s21 =	simm.s32 $0x3;
	s22 =	simm.s32 $0x7  }
0x6: {  	s23 =	simm.s32 $0x4;
	s24 =	simm.s32 $0x8;
	s25 =	simm.s32 $0x0  }
0x7: {  	s5 =	sand.u32 $0x1, s2;
	s3 =	sshll.u32 s8, $0x1;
	s7 =	smul.u32 $0x640000, s8  }
0x8: {  	s2 =	rddreg [dreg:$0x3];
	s26 =	smul.u32 $0xC8000, s8;
	p0 =	sne.s32 s8, $0x0  }
0x9: {  	s4 =	sor.u32 s5, s3;
	s3 =	simm.s32 $0x0;
	s11 =	smul.u32 $0x320000, s5  }
0xa: {  	s6 =	ssub.s32 $0x2, s5;
	s29 =	smul.u32 $0x64000, s5;
	[smem:$0x7FF] =	sst s3  }
0xb: {  	s4 =	smul.u32 $0xC80, s4;
	s10 =	sshrl.u32 s6, $0x1;
	_ =	strace $0x80000047  }
0xc: {  	s6 =	ssub.s32 s6, s10;
	s28 =	sadd.s32 s11, s7;
	s10 =	sadd.s32 s26, s9  }
0xd: {  	s11 =	simm.s32 $0x80;
	s1 =	sadd.s32 s4, s1;
	s30 =	smax.u32 s6, $0x1  }
0xe: {  	s31 =	sshrl.u32 s28, $0x3;
	s7 =	sadd.s32 s29, s10;
	s10 =	sshrl.u32 @!p0 s2, $0x3  }
0xf: {  	s0 =	sadd.s32 $0x400, s1;
	[dreg:$0x6] =	wrdreg s30;
	s1 =	sor.u32 $0xC000, s28  }
0x10: {  	s6 =	sadd.s32 s31, s9;
	s7 =	sadd.s32 $0x1000, s7;
	s1 =	sshrl.u32 s1, $0x3  }
0x11: {  	[dreg:$0x5] =	wrdreg s0;
	s1 =	sadd.s32 s1, s9;
	s9 =	simm.s32 $0x9  }
.LBB2_1:
0x12: {  	s0 =	rddreg [dreg:$0x5]  }
0x13: {  	[tilespmem:s3], [sflag:$0x9] =	stream.linear.gather [hbm4b:s0+s3], $0x6400, $0x38;
	[tilespmem:$0x16600] =	vst v63  }
0x14: {  	_ =	swait.ge [sflag:s9], $0x6400  }
0x15: {  	[sflag:s9] =	ssyncset.done $0x0  }
0x16: {  	[sflag:s9] =	ssyncadd.s32 $0xFFFF9C00  }
0x17: {  	s8 =	simm.s32 @!p0 $0x1C09;
	s0 =	rddreg [dreg:$0x1]  }
0x18: {  	[spmem:s10], [sflag:s8] =	dma.local @!p0 [hbm:s0], $0x3F0  }
0x19: {  	s8 =	simm.s32 @!p0 $0x9  }
0x1a: {  	_ =	swait.ge @!p0 [sflag:s8], $0x3F0  }
0x1b: {  	[sflag:s8] =	ssyncset.done @!p0 $0x0  }
0x1c: {  	[sflag:s8] =	ssyncadd.s32 @!p0 $0xFFFFFC10  }
0x1d: {  	[bflag:$0x0] =	sbarrier.arrive $0xFFFF  }
0x1e: {  	[tilespmem:s12], [sflag:$0x1] =	stream.indirect.gather [spmem:s2], $0x80, s3, s11, $0xb8;
	[tilespmem:$0x16600] =	vst v63  }
0x1f: {  	_ = 	snop  }
0x20: {  	[tilespmem:s13], [sflag:$0x2] =	stream.indirect.gather [spmem:s2], $0x80, s11, s11, $0xb8;
	[tilespmem:$0x16600] =	vst v63  }
0x21: {  	p1 =	por $0x1, $0x1;
	s8 =	simm.s32 $0x100  }
0x22: {  	[tilespmem:s15], [sflag:$0x3] =	stream.indirect.gather [spmem:s2], $0x80, s8, s11, $0xb8;
	[tilespmem:$0x16600] =	vst v63  }
0x23: {  	s8 =	simm.s32 @!p1 $0x8  }
0x24: {  	_ =	swait.ge @!p1 [sflag:s8], $0x4000  }
0x25: {  	[sflag:s8] =	ssyncset.done @!p1 $0x0  }
0x26: {  	s14 =	simm.s32 $0x180;
	[sflag:s8] =	ssyncadd.s32 @!p1 $0xFFFFC000  }
0x27: {  	[tilespmem:s16], [sflag:$0x4] =	stream.indirect.gather [spmem:s2], $0x80, s14, s11, $0xb8;
	[tilespmem:$0x16600] =	vst v63  }
0x28: {  	_ =	swait.ge [sflag:s17], $0x4000  }
0x29: {  	[sflag:s17] =	ssyncset.done $0x0  }
0x2a: {  	[sflag:s17] =	ssyncadd.s32 $0xFFFFC000  }
0x2b: {  	[hbm4b:s6+s3] =	stream.linear.scatter [tilespmem:s12], [sflag:$0x5], $0x4000, $0x38;
	[tilespmem:$0x16600] =	vst v63  }
0x2c: {  	p1 =	por $0x0, $0x0;
	_ =	swait.ge [sflag:s18], $0x4000  }
0x2d: {  	s8 =	simm.s32 @!p1 $0x6400;
	[sflag:s18] =	ssyncset.done $0x0  }
0x2e: {  	s26 =	simm.s32 @!p1 $0x200;
	s28 =	simm.s32 @!p1 $0x80;
	[sflag:s18] =	ssyncadd.s32 $0xFFFFC000  }
0x2f: {  	[tilespmem:s8], [sflag:$0x1] =	stream.indirect.gather @!p1 [spmem:s2], $0x80, s26, s28, $0xb8;
	[tilespmem:$0x16600] =	vst v63  }
0x30: {  	_ =	swait.ge [sflag:s19], $0x4000  }
0x31: {  	[sflag:s19] =	ssyncset.done $0x0  }
0x32: {  	s26 =	sadd.s32 $0xFFFFF800, s7;
	[sflag:s19] =	ssyncadd.s32 $0xFFFFC000  }
0x33: {  	[hbm4b:s26+s3] =	stream.linear.scatter [tilespmem:s13], [sflag:$0x6], $0x4000, $0x38;
	[tilespmem:$0x16600] =	vst v63  }
0x34: {  	_ =	swait.ge [sflag:s20], $0x4000  }
0x35: {  	[sflag:s20] =	ssyncset.done $0x0  }
0x36: {  	s8 =	simm.s32 @!p1 $0x280;
	s26 =	simm.s32 @!p1 $0xA400;
	[sflag:s20] =	ssyncadd.s32 $0xFFFFC000  }
0x37: {  	[tilespmem:s26], [sflag:$0x2] =	stream.indirect.gather @!p1 [spmem:s2], $0x80, s8, s28, $0xb8;
	[tilespmem:$0x16600] =	vst v63  }
0x38: {  	_ =	swait.ge [sflag:s21], $0x4000  }
0x39: {  	[sflag:s21] =	ssyncset.done $0x0  }
0x3a: {  	[sflag:s21] =	ssyncadd.s32 $0xFFFFC000  }
0x3b: {  	[hbm4b:s7+s3] =	stream.linear.scatter [tilespmem:s15], [sflag:$0x7], $0x4000, $0x38;
	[tilespmem:$0x16600] =	vst v63  }
0x3c: {  	s29 =	simm.s32 $0x800;
	_ =	swait.ge [sflag:s22], $0x4000  }
0x3d: {  	s31 =	simm.s32 $0x1000;
	p2 =	por $0x0, $0x0;
	[sflag:s22] =	ssyncset.done $0x0  }
0x3e: {  	s8 =	simm.s32 @!p1 $0x300;
	s26 =	simm.s32 @!p1 $0xE400;
	[sflag:s22] =	ssyncadd.s32 $0xFFFFC000  }
0x3f: {  	[tilespmem:s26], [sflag:$0x3] =	stream.indirect.gather @!p1 [spmem:s2], $0x80, s8, s28, $0xb8;
	[tilespmem:$0x16600] =	vst v63  }
0x40: {  	s30 =	sadd.s32 $0x2000, s6;
	s28 =	sadd.s32 $0x2000, s7;
	_ =	swait.ge [sflag:s23], $0x4000  }
0x41: {  	s26 =	sadd.s32 $0x2000, s1;
	s8 =	smov.u32 s1;
	[sflag:s23] =	ssyncset.done $0x0  }
.LBB2_2:
0x42: {  	s0 =	simm.s32 @!p2 $0x8  }
0x43: {  	[sflag:s23] =	ssyncadd.s32 $0xFFFFC000;
	s14 =	smov.u32 s31;
	s31 =	sadd.s32 $0x800, s31  }
0x44: {  	[hbm4b:s8+s3] =	stream.linear.scatter [tilespmem:s16], [sflag:$0x8], $0x4000, $0x38;
	[tilespmem:$0x16600] =	vst v63  }
0x45: {  	p1 =	sne.s32 s31, $0x19000;
	s8 =	smov.u32 s26;
	_ =	swait.ge @!p2 [sflag:s0], $0x4000  }
0x46: {  	s4 =	sshra.s32 s29, $0x2;
	[sflag:s0] =	ssyncset.done @!p2 $0x0  }
0x47: {  	[sflag:s0] =	ssyncadd.s32 @!p2 $0xFFFFC000;
	s0 =	sadd.s32 $0x180, s4  }
0x48: {  	[tilespmem:s16], [sflag:$0x4] =	stream.indirect.gather [spmem:s2], $0x80, s0, s11, $0xb8;
	[tilespmem:$0x16600] =	vst v63  }
0x49: {  	_ =	swait.ge [sflag:s17], $0x4000  }
0x4a: {  	[sflag:s17] =	ssyncset.done $0x0  }
0x4b: {  	[sflag:s17] =	ssyncadd.s32 $0xFFFFC000  }
0x4c: {  	[hbm4b:s30+s3] =	stream.linear.scatter [tilespmem:s12], [sflag:$0x5], $0x4000, $0x38;
	[tilespmem:$0x16600] =	vst v63  }
0x4d: {  	p2 =	seq.s32 s29, $0x18800;
	_ =	swait.ge [sflag:s18], $0x4000  }
0x4e: {  	s0 =	sshra.s32 @!p2 s29, $0x2;
	s4 =	simm.s32 @!p2 $0x6400;
	[sflag:s18] =	ssyncset.done $0x0  }
0x4f: {  	s5 =	simm.s32 @!p2 $0x80;
	s29 =	sadd.s32 @!p2 $0x200, s0;
	[sflag:s18] =	ssyncadd.s32 $0xFFFFC000  }
0x50: {  	[tilespmem:s4], [sflag:$0x1] =	stream.indirect.gather @!p2 [spmem:s2], $0x80, s29, s5, $0xb8;
	[tilespmem:$0x16600] =	vst v63  }
0x51: {  	s4 =	sadd.s32 @!p2 $0x280, s0;
	s0 =	sadd.s32 @!p2 $0x300, s0;
	_ =	swait.ge [sflag:s19], $0x4000  }
0x52: {  	s29 =	smov.u32 s14;
	[sflag:s19] =	ssyncset.done $0x0  }
0x53: {  	s14 =	sadd.s32 $0xFFFFF800, s28;
	[sflag:s19] =	ssyncadd.s32 $0xFFFFC000  }
0x54: {  	[hbm4b:s14+s3] =	stream.linear.scatter [tilespmem:s13], [sflag:$0x6], $0x4000, $0x38;
	[tilespmem:$0x16600] =	vst v63  }
0x55: {  	_ =	swait.ge [sflag:s20], $0x4000  }
0x56: {  	[sflag:s20] =	ssyncset.done $0x0  }
0x57: {  	s14 =	simm.s32 @!p2 $0xA400;
	[sflag:s20] =	ssyncadd.s32 $0xFFFFC000  }
0x58: {  	[tilespmem:s14], [sflag:$0x2] =	stream.indirect.gather @!p2 [spmem:s2], $0x80, s4, s5, $0xb8;
	[tilespmem:$0x16600] =	vst v63  }
0x59: {  	_ =	swait.ge [sflag:s21], $0x4000  }
0x5a: {  	[sflag:s21] =	ssyncset.done $0x0  }
0x5b: {  	[sflag:s21] =	ssyncadd.s32 $0xFFFFC000  }
0x5c: {  	[hbm4b:s28+s3] =	stream.linear.scatter [tilespmem:s15], [sflag:$0x7], $0x4000, $0x38;
	[tilespmem:$0x16600] =	vst v63  }
0x5d: {  	_ =	swait.ge [sflag:s22], $0x4000  }
.Ltmp0:
0x5e: {  	[sflag:s22] =	ssyncset.done $0x0;
	(pc) =	sbr.rel @p1 .LBB2_2-.Ltmp0, $4  }
0x5f: {  	s4 =	simm.s32 @!p2 $0xE400;
	[sflag:s22] =	ssyncadd.s32 $0xFFFFC000  }
0x60: {  	[tilespmem:s4], [sflag:$0x3] =	stream.indirect.gather @!p2 [spmem:s2], $0x80, s0, s5, $0xb8;
	[tilespmem:$0x16600] =	vst v63  }
0x61: {  	s26 =	sadd.s32 $0x2000, s26;
	s28 =	sadd.s32 $0x2000, s28;
	_ =	swait.ge [sflag:s23], $0x4000  }
0x62: {  	s30 =	sadd.s32 $0x2000, s30;
	p2 =	seq.s32 s29, $0x0;
	[sflag:s23] =	ssyncset.done $0x0  }
0x63: {  	s0 =	simm.s32 @!p2 $0x8;
	[sflag:s23] =	ssyncadd.s32 $0xFFFFC000  }
0x64: {  	[hbm4b:s8+s3] =	stream.linear.scatter [tilespmem:s16], [sflag:$0x8], $0x4000, $0x38;
	[tilespmem:$0x16600] =	vst v63  }
0x65: {  	_ =	swait.ge @!p2 [sflag:s0], $0x4000  }
0x66: {  	s4 =	sshra.s32 s29, $0x2;
	[sflag:s0] =	ssyncset.done @!p2 $0x0  }
0x67: {  	s14 =	sadd.s32 $0x180, s4;
	[sflag:s0] =	ssyncadd.s32 @!p2 $0xFFFFC000  }
0x68: {  	[tilespmem:s16], [sflag:$0x4] =	stream.indirect.gather [spmem:s2], $0x80, s14, s11, $0xb8;
	[tilespmem:$0x16600] =	vst v63  }
0x69: {  	_ =	swait.ge [sflag:s17], $0x4000  }
0x6a: {  	[sflag:s17] =	ssyncset.done $0x0  }
0x6b: {  	[sflag:s17] =	ssyncadd.s32 $0xFFFFC000  }
0x6c: {  	[hbm4b:s30+s3] =	stream.linear.scatter [tilespmem:s12], [sflag:$0x5], $0x4000, $0x38;
	[tilespmem:$0x16600] =	vst v63  }
0x6d: {  	p1 =	seq.s32 s29, $0x18800;
	_ =	swait.ge [sflag:s18], $0x4000  }
0x6e: {  	s4 =	simm.s32 @!p1 $0x6400;
	s0 =	sshra.s32 @!p1 s29, $0x2;
	[sflag:s18] =	ssyncset.done $0x0  }
0x6f: {  	s8 =	simm.s32 @!p1 $0x80;
	s5 =	sadd.s32 @!p1 $0x200, s0;
	[sflag:s18] =	ssyncadd.s32 $0xFFFFC000  }
0x70: {  	[tilespmem:s4], [sflag:$0x1] =	stream.indirect.gather @!p1 [spmem:s2], $0x80, s5, s8, $0xb8;
	[tilespmem:$0x16600] =	vst v63  }
0x71: {  	_ =	swait.ge [sflag:s19], $0x4000  }
0x72: {  	[sflag:s19] =	ssyncset.done $0x0  }
0x73: {  	s30 =	sadd.s32 $0xFFFFF800, s28;
	[sflag:s19] =	ssyncadd.s32 $0xFFFFC000  }
0x74: {  	[hbm4b:s30+s3] =	stream.linear.scatter [tilespmem:s13], [sflag:$0x6], $0x4000, $0x38;
	[tilespmem:$0x16600] =	vst v63  }
0x75: {  	_ =	swait.ge [sflag:s20], $0x4000  }
0x76: {  	[sflag:s20] =	ssyncset.done $0x0  }
0x77: {  	s4 =	sadd.s32 @!p1 $0x280, s0;
	s5 =	simm.s32 @!p1 $0xA400;
	[sflag:s20] =	ssyncadd.s32 $0xFFFFC000  }
0x78: {  	[tilespmem:s5], [sflag:$0x2] =	stream.indirect.gather @!p1 [spmem:s2], $0x80, s4, s8, $0xb8;
	[tilespmem:$0x16600] =	vst v63  }
0x79: {  	_ =	swait.ge [sflag:s21], $0x4000  }
0x7a: {  	[sflag:s21] =	ssyncset.done $0x0  }
0x7b: {  	[sflag:s21] =	ssyncadd.s32 $0xFFFFC000  }
0x7c: {  	[hbm4b:s28+s3] =	stream.linear.scatter [tilespmem:s15], [sflag:$0x7], $0x4000, $0x38;
	[tilespmem:$0x16600] =	vst v63  }
0x7d: {  	_ =	swait.ge [sflag:s22], $0x4000  }
0x7e: {  	[sflag:s22] =	ssyncset.done $0x0  }
0x7f: {  	s0 =	sadd.s32 @!p1 $0x300, s0;
	s4 =	simm.s32 @!p1 $0xE400;
	[sflag:s22] =	ssyncadd.s32 $0xFFFFC000  }
0x80: {  	[tilespmem:s4], [sflag:$0x3] =	stream.indirect.gather @!p1 [spmem:s2], $0x80, s0, s8, $0xb8;
	[tilespmem:$0x16600] =	vst v63  }
0x81: {  	_ =	swait.ge [sflag:s23], $0x4000  }
0x82: {  	[sflag:s23] =	ssyncset.done $0x0  }
0x83: {  	[sflag:s23] =	ssyncadd.s32 $0xFFFFC000  }
0x84: {  	[hbm4b:s26+s3] =	stream.linear.scatter [tilespmem:s16], [sflag:$0x8], $0x4000, $0x38;
	[tilespmem:$0x16600] =	vst v63  }
0x85: {  	_ =	swait.ge [sflag:s24], $0x4000  }
0x86: {  	s25 =	sadd.s32 $0x1, s25;
	s31 =	rddreg [dreg:$0x6]  }
0x87: {  	p1 =	sne.s32 s25, s31  }
.Ltmp1:
0x88: {  	_ = 	snop;
	(pc) =	sbr.rel @p1 .LBB2_1-.Ltmp1, $3  }
0x89: {  	_ =	sdelay $0x1  }
0x8a: {  	[sflag:s24] =	ssyncset.done $0x0  }
0x8b: {  	[sflag:s24] =	ssyncadd.s32 $0xFFFFC000  }
0x8c: {  	_ =	sfence.sel $0x180000  }
0x8d: {  	[bflag:$0x0] =	sbarrier.arrive $0xFFFF  }
0x8e: {  	_ =	strace $0x90000047  }
0x8f: {  	[bflag:$0x2] =	sbarrier.arrive $0xFFFF  }
0x90: {  	s0 =	rddreg [dreg:$0x4]  }
0x91: {  	s0 =	sadd.s32 @!p0 $0x100000, s0  }
0x92: {  	[sflag:s0] =	ssyncadd.tile.s32 @!p0 $0x1;
	_ =	shalt  }
.Lfunc_end2:
_tile_overlayer_lowered:
.L_overlay_start_2:
0x93: {  	(tag) =	ssettag $0x2  }
0x94: {  	s0 =	rddreg [dreg:$0x0];
	s2 =	stileid.u32  }
0x95: {  	s1 =	rddreg [dreg:$0x1];
	p0 =	sne.s32 s2, $0x0  }
0x96: {  	s3 =	rddreg [dreg:$0x2];
	[bflag:$0x3] =	sbarrier.arrive $0xFFFF;
	s2 =	simm.s32 @!p0 $0x1C09  }
0x97: {  	[timem:s3], [sflag:s2] =	dma.local @!p0 [hbm:s0], s1  }
0x98: {  	s0 =	simm.s32 @!p0 $0x9  }
0x99: {  	_ =	swait.ge @!p0 [sflag:s0], s1  }
0x9a: {  	s1 =	ssub.s32 @!p0 $0x0, s1;
	[sflag:s0] =	ssyncset.done @!p0 $0x0  }
0x9b: {  	[sflag:s0] =	ssyncadd.s32 @!p0 s1  }
0x9c: {  	[bflag:$0x3] =	sbarrier.arrive $0xFFFF  }
0x9d: {  	_ =	shalt  }

</sc_bundles>
